<compile_context>
chip_gen: v7x
topology: tpu7x:2x2x1
jax: 0.10.2.dev20260603
libtpu: 0.0.44.dev20260713+nightly
codegen_flags: <defaults>
</compile_context>

<pallas_src>
import functools

import jax
import jax.numpy as jnp
from jax import lax
from jax.experimental import pallas as pl
from jax.experimental.pallas import tpu as pltpu
from jax.experimental.pallas import tpu_sc as plsc

L = 16
NC = 2
NS = 16
NW = NC * NS


def _enc_body(t_ref, enc_ref):
    t = t_ref[...]
    norms = jnp.sqrt(jnp.sum(t * t, axis=-1, keepdims=True))
    scale = jnp.where(norms > 1.0, 1.0 / (norms + 1e-7), 1.0)
    enc_ref[...] = t * scale


def _compute_enc(table):
    S, D = table.shape
    return pl.pallas_call(
        _enc_body,
        out_shape=jax.ShapeDtypeStruct((S, D), jnp.float32),
    )(table)


def kernel(x, table):
    B, S, one, D = x.shape
    words_per_row = S * D // L
    rows_per_w = B // NW

    enc = _compute_enc(table)
    enc2 = enc.reshape(words_per_row, L)
    x2 = x.reshape(B * words_per_row, L)

    mesh = plsc.VectorSubcoreMesh(core_axis_name="c", subcore_axis_name="s")

    @functools.partial(
        pl.kernel,
        mesh=mesh,
        out_type=jax.ShapeDtypeStruct((B * words_per_row, L), jnp.float32),
        scratch_types=[
            pltpu.VMEM((words_per_row, L), jnp.float32),
            pltpu.VMEM((words_per_row, L), jnp.float32),
        ],
        compiler_params=pltpu.CompilerParams(use_tc_tiling_on_sc=False),
    )
    def sc_add(x_hbm, enc_hbm, out_hbm, enc_v, buf):
        wid = lax.axis_index("s") * NC + lax.axis_index("c")
        base = wid * rows_per_w

        pltpu.sync_copy(enc_hbm, enc_v)

        def add8(j, carry):
            for k in range(8):
                i = j * 8 + k
                buf[i] = buf[i] + enc_v[i]
            return carry

        def per_row(r, carry):
            off = (base + r) * words_per_row
            pltpu.sync_copy(x_hbm.at[pl.ds(off, words_per_row)], buf)
            lax.fori_loop(0, words_per_row // 8, add8, 0, unroll=False)
            pltpu.sync_copy(buf, out_hbm.at[pl.ds(off, words_per_row)])
            return carry

        lax.fori_loop(0, rows_per_w, per_row, 0, unroll=False)

    out = sc_add(x2, enc2)
    return out.reshape(B, S, one, D)

# --- scband reference (transcript-rebuilt; emitter-appended) ---
"""Pipeline reference for scband-learnedbb3d-encoding-39625368272904 (READ-ONLY COPY).

The authoritative reference and input builder live on the scoring server;
editing this copy changes nothing except your own understanding.
"""

import jax, jax.numpy as jnp
import numpy as np

D_MODEL = 128
SEQ_LEN_TABLE = 200


def setup_inputs(seed: int = 0) -> dict:
    key = jax.random.key(seed)
    k1, k2 = jax.random.split(key)
    x = jax.random.normal(k1, (1024, 200, 1, D_MODEL), dtype=jnp.float32)
    # learned positional embedding table (nn.Embedding weight ~ N(0,1))
    table = jax.random.normal(k2, (SEQ_LEN_TABLE, D_MODEL), dtype=jnp.float32)
    return {"x": x, "table": table}


def _max_norm_renorm(rows, max_norm=1.0, eps=1e-7):
    # torch nn.Embedding(max_norm=...) renormalizes looked-up rows whose L2
    # norm exceeds max_norm: row * max_norm / (norm + eps)
    norms = jnp.linalg.norm(rows, axis=-1, keepdims=True)
    scale = jnp.where(norms > max_norm, max_norm / (norms + eps), 1.0)
    return rows * scale


def reference(x, table):
    seq_len = x.shape[1]
    idx = jnp.arange(seq_len)
    rows = jnp.take(table, idx, axis=0)  # embedding gather
    enc = _max_norm_renorm(rows, max_norm=1.0)
    # unsqueeze(1).unsqueeze(0): [S, D] -> [1, S, 1, D]
    out = x + enc[None, :, None, :]
    # dropout p=0.0 -> identity
    return out

if __name__ == "__main__":
    import jax
    _d = setup_inputs()
    print(jax.jit(kernel)(*tuple(_d.values())))

</pallas_src>

<mosaic_0001>
#map = affine_map<(d0, d1) -> (0, 0)>
module attributes {stable_mosaic.version = 14 : i64} {
  func.func @sc_add(%arg0: i32, %arg1: i32, %arg2: memref<1638400x16xf32, #tpu.memory_space<hbm>>, %arg3: memref<1600x16xf32, #tpu.memory_space<hbm>>, %arg4: memref<1638400x16xf32, #tpu.memory_space<hbm>>, %arg5: memref<1600x16xf32, #tpu.memory_space<vmem>>, %arg6: memref<1600x16xf32, #tpu.memory_space<vmem>>) attributes {dimension_semantics = [#tpu.dimension_semantics<core_parallel>, #tpu.dimension_semantics<subcore_parallel>], iteration_bounds = array<i64: 2, 16>, scalar_prefetch = 0 : i64, scratch_operands = 2 : i64, tpu.core_type = #tpu.core_type<sc_vector_subcore>, window_params = [{transform_indices = #map}, {transform_indices = #map}, {transform_indices = #map}]} {
    %mul3A = arith.constant 2 : i32
    %mul3A_0 = arith.muli %arg1, %mul3A : i32
    %add3A = arith.addi %mul3A_0, %arg0 : i32
    %mul3A_1 = arith.constant 32 : i32
    %mul3A_2 = arith.muli %add3A, %mul3A_1 : i32
    "tpu.region"() ({
      %run_scoped3A = tpu.sem_alloc : memref<!tpu.dma_semaphore, #tpu.memory_space<semaphore_mem>>
      tpu.enqueue_dma source(%arg3 : memref<1600x16xf32, #tpu.memory_space<hbm>>) target(%arg5 : memref<1600x16xf32, #tpu.memory_space<vmem>>) target_semaphore(%run_scoped3A : memref<!tpu.dma_semaphore, #tpu.memory_space<semaphore_mem>>)
      tpu.wait_dma2 semaphore(%run_scoped3A : memref<!tpu.dma_semaphore, #tpu.memory_space<semaphore_mem>>) src(%arg3 : memref<1600x16xf32, #tpu.memory_space<hbm>>) dst(%arg5 : memref<1600x16xf32, #tpu.memory_space<vmem>>)
      tpu.yield
    }) : () -> ()
    %scan3A = arith.constant 0 : i32
    %scan3A_3 = arith.constant 0 : i32
    %scan3A_4 = arith.constant 32 : i32
    %scan3A_5 = arith.addi %scan3A_3, %scan3A_4 : i32
    %scan3A_6 = arith.constant 1 : i32
    scf.for %scan3A_8 = %scan3A_3 to %scan3A_5 step %scan3A_6  : i32 {
      %add3A_9 = arith.addi %mul3A_2, %scan3A_8 : i32
      %mul3A_10 = arith.constant 1600 : i32
      %mul3A_11 = arith.muli %add3A_9, %mul3A_10 : i32
      "tpu.region"() ({
        %run_scoped3A = tpu.sem_alloc : memref<!tpu.dma_semaphore, #tpu.memory_space<semaphore_mem>>
        %dma_start3A = arith.constant 0 : i32
        %dma_start3A_18 = tpu.memref_slice %arg2[%mul3A_11, %dma_start3A] : memref<1638400x16xf32, #tpu.memory_space<hbm>> -> memref<1600x16xf32, #tpu.memory_space<hbm>>
        %dma_start3A_19 = arith.constant 0 : i32
        %dma_start3A_20 = tpu.memref_slice %arg2[%mul3A_11, %dma_start3A_19] : memref<1638400x16xf32, #tpu.memory_space<hbm>> -> memref<1600x16xf32, #tpu.memory_space<hbm>>
        tpu.enqueue_dma source(%dma_start3A_20 : memref<1600x16xf32, #tpu.memory_space<hbm>>) target(%arg6 : memref<1600x16xf32, #tpu.memory_space<vmem>>) target_semaphore(%run_scoped3A : memref<!tpu.dma_semaphore, #tpu.memory_space<semaphore_mem>>)
        %dma_wait3A = arith.constant 0 : i32
        %dma_wait3A_21 = tpu.memref_slice %arg2[%mul3A_11, %dma_wait3A] : memref<1638400x16xf32, #tpu.memory_space<hbm>> -> memref<1600x16xf32, #tpu.memory_space<hbm>>
        %dma_wait3A_22 = arith.constant 0 : i32
        %dma_wait3A_23 = tpu.memref_slice %arg2[%mul3A_11, %dma_wait3A_22] : memref<1638400x16xf32, #tpu.memory_space<hbm>> -> memref<1600x16xf32, #tpu.memory_space<hbm>>
        tpu.wait_dma2 semaphore(%run_scoped3A : memref<!tpu.dma_semaphore, #tpu.memory_space<semaphore_mem>>) src(%dma_wait3A_23 : memref<1600x16xf32, #tpu.memory_space<hbm>>) dst(%arg6 : memref<1600x16xf32, #tpu.memory_space<vmem>>)
        tpu.yield
      }) : () -> ()
      %scan3A_12 = arith.constant 0 : i32
      %scan3A_13 = arith.constant 0 : i32
      %scan3A_14 = arith.constant 200 : i32
      %scan3A_15 = arith.addi %scan3A_13, %scan3A_14 : i32
      %scan3A_16 = arith.constant 1 : i32
      scf.for %scan3A_18 = %scan3A_13 to %scan3A_15 step %scan3A_16  : i32 {
        %mul3A_19 = arith.constant 8 : i32
        %mul3A_20 = arith.muli %scan3A_18, %mul3A_19 : i32
        %add3A_21 = arith.constant 0 : i32
        %add3A_22 = arith.addi %mul3A_20, %add3A_21 : i32
        %get3A = arith.index_cast %add3A_22 : i32 to index
        %get3A_23 = arith.constant 0 : index
        %get3A_24 = tpu.vector_load %arg6[%get3A, %get3A_23] {strides = array<i32>} : memref<1600x16xf32, #tpu.memory_space<vmem>>, vector<1x16xf32>,
        %get3A_25 = vector.shape_cast %get3A_24 : vector<1x16xf32> to vector<16xf32>
        %get3A_26 = arith.index_cast %add3A_22 : i32 to index
        %get3A_27 = arith.constant 0 : index
        %get3A_28 = tpu.vector_load %arg5[%get3A_26, %get3A_27] {strides = array<i32>} : memref<1600x16xf32, #tpu.memory_space<vmem>>, vector<1x16xf32>,
        %get3A_29 = vector.shape_cast %get3A_28 : vector<1x16xf32> to vector<16xf32>
        %add3A_30 = arith.addf %get3A_25, %get3A_29 : vector<16xf32>
        %swap3A = arith.index_cast %add3A_22 : i32 to index
        %swap3A_31 = arith.constant 0 : index
        %swap3A_32 = tpu.vector_load %arg6[%swap3A, %swap3A_31] {strides = array<i32>} : memref<1600x16xf32, #tpu.memory_space<vmem>>, vector<1x16xf32>,
        %swap3A_33 = vector.shape_cast %swap3A_32 : vector<1x16xf32> to vector<16xf32>
        %swap3A_34 = vector.shape_cast %add3A_30 : vector<16xf32> to vector<1x16xf32>
        tpu.vector_store %arg6[%swap3A, %swap3A_31], %swap3A_34 {strides = array<i32>} : memref<1600x16xf32, #tpu.memory_space<vmem>>, vector<1x16xf32>,
        %mul3A_35 = arith.constant 8 : i32
        %mul3A_36 = arith.muli %scan3A_18, %mul3A_35 : i32
        %add3A_37 = arith.constant 1 : i32
        %add3A_38 = arith.addi %mul3A_36, %add3A_37 : i32
        %get3A_39 = arith.index_cast %add3A_38 : i32 to index
        %get3A_40 = arith.constant 0 : index
        %get3A_41 = tpu.vector_load %arg6[%get3A_39, %get3A_40] {strides = array<i32>} : memref<1600x16xf32, #tpu.memory_space<vmem>>, vector<1x16xf32>,
        %get3A_42 = vector.shape_cast %get3A_41 : vector<1x16xf32> to vector<16xf32>
        %get3A_43 = arith.index_cast %add3A_38 : i32 to index
        %get3A_44 = arith.constant 0 : index
        %get3A_45 = tpu.vector_load %arg5[%get3A_43, %get3A_44] {strides = array<i32>} : memref<1600x16xf32, #tpu.memory_space<vmem>>, vector<1x16xf32>,
        %get3A_46 = vector.shape_cast %get3A_45 : vector<1x16xf32> to vector<16xf32>
        %add3A_47 = arith.addf %get3A_42, %get3A_46 : vector<16xf32>
        %swap3A_48 = arith.index_cast %add3A_38 : i32 to index
        %swap3A_49 = arith.constant 0 : index
        %swap3A_50 = tpu.vector_load %arg6[%swap3A_48, %swap3A_49] {strides = array<i32>} : memref<1600x16xf32, #tpu.memory_space<vmem>>, vector<1x16xf32>,
        %swap3A_51 = vector.shape_cast %swap3A_50 : vector<1x16xf32> to vector<16xf32>
        %swap3A_52 = vector.shape_cast %add3A_47 : vector<16xf32> to vector<1x16xf32>
        tpu.vector_store %arg6[%swap3A_48, %swap3A_49], %swap3A_52 {strides = array<i32>} : memref<1600x16xf32, #tpu.memory_space<vmem>>, vector<1x16xf32>,
        %mul3A_53 = arith.constant 8 : i32
        %mul3A_54 = arith.muli %scan3A_18, %mul3A_53 : i32
        %add3A_55 = arith.constant 2 : i32
        %add3A_56 = arith.addi %mul3A_54, %add3A_55 : i32
        %get3A_57 = arith.index_cast %add3A_56 : i32 to index
        %get3A_58 = arith.constant 0 : index
        %get3A_59 = tpu.vector_load %arg6[%get3A_57, %get3A_58] {strides = array<i32>} : memref<1600x16xf32, #tpu.memory_space<vmem>>, vector<1x16xf32>,
        %get3A_60 = vector.shape_cast %get3A_59 : vector<1x16xf32> to vector<16xf32>
        %get3A_61 = arith.index_cast %add3A_56 : i32 to index
        %get3A_62 = arith.constant 0 : index
        %get3A_63 = tpu.vector_load %arg5[%get3A_61, %get3A_62] {strides = array<i32>} : memref<1600x16xf32, #tpu.memory_space<vmem>>, vector<1x16xf32>,
        %get3A_64 = vector.shape_cast %get3A_63 : vector<1x16xf32> to vector<16xf32>
        %add3A_65 = arith.addf %get3A_60, %get3A_64 : vector<16xf32>
        %swap3A_66 = arith.index_cast %add3A_56 : i32 to index
        %swap3A_67 = arith.constant 0 : index
        %swap3A_68 = tpu.vector_load %arg6[%swap3A_66, %swap3A_67] {strides = array<i32>} : memref<1600x16xf32, #tpu.memory_space<vmem>>, vector<1x16xf32>,
        %swap3A_69 = vector.shape_cast %swap3A_68 : vector<1x16xf32> to vector<16xf32>
        %swap3A_70 = vector.shape_cast %add3A_65 : vector<16xf32> to vector<1x16xf32>
        tpu.vector_store %arg6[%swap3A_66, %swap3A_67], %swap3A_70 {strides = array<i32>} : memref<1600x16xf32, #tpu.memory_space<vmem>>, vector<1x16xf32>,
        %mul3A_71 = arith.constant 8 : i32
        %mul3A_72 = arith.muli %scan3A_18, %mul3A_71 : i32
        %add3A_73 = arith.constant 3 : i32
        %add3A_74 = arith.addi %mul3A_72, %add3A_73 : i32
        %get3A_75 = arith.index_cast %add3A_74 : i32 to index
        %get3A_76 = arith.constant 0 : index
        %get3A_77 = tpu.vector_load %arg6[%get3A_75, %get3A_76] {strides = array<i32>} : memref<1600x16xf32, #tpu.memory_space<vmem>>, vector<1x16xf32>,
        %get3A_78 = vector.shape_cast %get3A_77 : vector<1x16xf32> to vector<16xf32>
        %get3A_79 = arith.index_cast %add3A_74 : i32 to index
        %get3A_80 = arith.constant 0 : index
        %get3A_81 = tpu.vector_load %arg5[%get3A_79, %get3A_80] {strides = array<i32>} : memref<1600x16xf32, #tpu.memory_space<vmem>>, vector<1x16xf32>,
        %get3A_82 = vector.shape_cast %get3A_81 : vector<1x16xf32> to vector<16xf32>
        %add3A_83 = arith.addf %get3A_78, %get3A_82 : vector<16xf32>
        %swap3A_84 = arith.index_cast %add3A_74 : i32 to index
        %swap3A_85 = arith.constant 0 : index
        %swap3A_86 = tpu.vector_load %arg6[%swap3A_84, %swap3A_85] {strides = array<i32>} : memref<1600x16xf32, #tpu.memory_space<vmem>>, vector<1x16xf32>,
        %swap3A_87 = vector.shape_cast %swap3A_86 : vector<1x16xf32> to vector<16xf32>
        %swap3A_88 = vector.shape_cast %add3A_83 : vector<16xf32> to vector<1x16xf32>
        tpu.vector_store %arg6[%swap3A_84, %swap3A_85], %swap3A_88 {strides = array<i32>} : memref<1600x16xf32, #tpu.memory_space<vmem>>, vector<1x16xf32>,
        %mul3A_89 = arith.constant 8 : i32
        %mul3A_90 = arith.muli %scan3A_18, %mul3A_89 : i32
        %add3A_91 = arith.constant 4 : i32
        %add3A_92 = arith.addi %mul3A_90, %add3A_91 : i32
        %get3A_93 = arith.index_cast %add3A_92 : i32 to index
        %get3A_94 = arith.constant 0 : index
        %get3A_95 = tpu.vector_load %arg6[%get3A_93, %get3A_94] {strides = array<i32>} : memref<1600x16xf32, #tpu.memory_space<vmem>>, vector<1x16xf32>,
        %get3A_96 = vector.shape_cast %get3A_95 : vector<1x16xf32> to vector<16xf32>
        %get3A_97 = arith.index_cast %add3A_92 : i32 to index
        %get3A_98 = arith.constant 0 : index
        %get3A_99 = tpu.vector_load %arg5[%get3A_97, %get3A_98] {strides = array<i32>} : memref<1600x16xf32, #tpu.memory_space<vmem>>, vector<1x16xf32>,
        %get3A_100 = vector.shape_cast %get3A_99 : vector<1x16xf32> to vector<16xf32>
        %add3A_101 = arith.addf %get3A_96, %get3A_100 : vector<16xf32>
        %swap3A_102 = arith.index_cast %add3A_92 : i32 to index
        %swap3A_103 = arith.constant 0 : index
        %swap3A_104 = tpu.vector_load %arg6[%swap3A_102, %swap3A_103] {strides = array<i32>} : memref<1600x16xf32, #tpu.memory_space<vmem>>, vector<1x16xf32>,
        %swap3A_105 = vector.shape_cast %swap3A_104 : vector<1x16xf32> to vector<16xf32>
        %swap3A_106 = vector.shape_cast %add3A_101 : vector<16xf32> to vector<1x16xf32>
        tpu.vector_store %arg6[%swap3A_102, %swap3A_103], %swap3A_106 {strides = array<i32>} : memref<1600x16xf32, #tpu.memory_space<vmem>>, vector<1x16xf32>,
        %mul3A_107 = arith.constant 8 : i32
        %mul3A_108 = arith.muli %scan3A_18, %mul3A_107 : i32
        %add3A_109 = arith.constant 5 : i32
        %add3A_110 = arith.addi %mul3A_108, %add3A_109 : i32
        %get3A_111 = arith.index_cast %add3A_110 : i32 to index
        %get3A_112 = arith.constant 0 : index
        %get3A_113 = tpu.vector_load %arg6[%get3A_111, %get3A_112] {strides = array<i32>} : memref<1600x16xf32, #tpu.memory_space<vmem>>, vector<1x16xf32>,
        %get3A_114 = vector.shape_cast %get3A_113 : vector<1x16xf32> to vector<16xf32>
        %get3A_115 = arith.index_cast %add3A_110 : i32 to index
        %get3A_116 = arith.constant 0 : index
        %get3A_117 = tpu.vector_load %arg5[%get3A_115, %get3A_116] {strides = array<i32>} : memref<1600x16xf32, #tpu.memory_space<vmem>>, vector<1x16xf32>,
        %get3A_118 = vector.shape_cast %get3A_117 : vector<1x16xf32> to vector<16xf32>
        %add3A_119 = arith.addf %get3A_114, %get3A_118 : vector<16xf32>
        %swap3A_120 = arith.index_cast %add3A_110 : i32 to index
        %swap3A_121 = arith.constant 0 : index
        %swap3A_122 = tpu.vector_load %arg6[%swap3A_120, %swap3A_121] {strides = array<i32>} : memref<1600x16xf32, #tpu.memory_space<vmem>>, vector<1x16xf32>,
        %swap3A_123 = vector.shape_cast %swap3A_122 : vector<1x16xf32> to vector<16xf32>
        %swap3A_124 = vector.shape_cast %add3A_119 : vector<16xf32> to vector<1x16xf32>
        tpu.vector_store %arg6[%swap3A_120, %swap3A_121], %swap3A_124 {strides = array<i32>} : memref<1600x16xf32, #tpu.memory_space<vmem>>, vector<1x16xf32>,
        %mul3A_125 = arith.constant 8 : i32
        %mul3A_126 = arith.muli %scan3A_18, %mul3A_125 : i32
        %add3A_127 = arith.constant 6 : i32
        %add3A_128 = arith.addi %mul3A_126, %add3A_127 : i32
        %get3A_129 = arith.index_cast %add3A_128 : i32 to index
        %get3A_130 = arith.constant 0 : index
        %get3A_131 = tpu.vector_load %arg6[%get3A_129, %get3A_130] {strides = array<i32>} : memref<1600x16xf32, #tpu.memory_space<vmem>>, vector<1x16xf32>,
        %get3A_132 = vector.shape_cast %get3A_131 : vector<1x16xf32> to vector<16xf32>
        %get3A_133 = arith.index_cast %add3A_128 : i32 to index
        %get3A_134 = arith.constant 0 : index
        %get3A_135 = tpu.vector_load %arg5[%get3A_133, %get3A_134] {strides = array<i32>} : memref<1600x16xf32, #tpu.memory_space<vmem>>, vector<1x16xf32>,
        %get3A_136 = vector.shape_cast %get3A_135 : vector<1x16xf32> to vector<16xf32>
        %add3A_137 = arith.addf %get3A_132, %get3A_136 : vector<16xf32>
        %swap3A_138 = arith.index_cast %add3A_128 : i32 to index
        %swap3A_139 = arith.constant 0 : index
        %swap3A_140 = tpu.vector_load %arg6[%swap3A_138, %swap3A_139] {strides = array<i32>} : memref<1600x16xf32, #tpu.memory_space<vmem>>, vector<1x16xf32>,
        %swap3A_141 = vector.shape_cast %swap3A_140 : vector<1x16xf32> to vector<16xf32>
        %swap3A_142 = vector.shape_cast %add3A_137 : vector<16xf32> to vector<1x16xf32>
        tpu.vector_store %arg6[%swap3A_138, %swap3A_139], %swap3A_142 {strides = array<i32>} : memref<1600x16xf32, #tpu.memory_space<vmem>>, vector<1x16xf32>,
        %mul3A_143 = arith.constant 8 : i32
        %mul3A_144 = arith.muli %scan3A_18, %mul3A_143 : i32
        %add3A_145 = arith.constant 7 : i32
        %add3A_146 = arith.addi %mul3A_144, %add3A_145 : i32
        %get3A_147 = arith.index_cast %add3A_146 : i32 to index
        %get3A_148 = arith.constant 0 : index
        %get3A_149 = tpu.vector_load %arg6[%get3A_147, %get3A_148] {strides = array<i32>} : memref<1600x16xf32, #tpu.memory_space<vmem>>, vector<1x16xf32>,
        %get3A_150 = vector.shape_cast %get3A_149 : vector<1x16xf32> to vector<16xf32>
        %get3A_151 = arith.index_cast %add3A_146 : i32 to index
        %get3A_152 = arith.constant 0 : index
        %get3A_153 = tpu.vector_load %arg5[%get3A_151, %get3A_152] {strides = array<i32>} : memref<1600x16xf32, #tpu.memory_space<vmem>>, vector<1x16xf32>,
        %get3A_154 = vector.shape_cast %get3A_153 : vector<1x16xf32> to vector<16xf32>
        %add3A_155 = arith.addf %get3A_150, %get3A_154 : vector<16xf32>
        %swap3A_156 = arith.index_cast %add3A_146 : i32 to index
        %swap3A_157 = arith.constant 0 : index
        %swap3A_158 = tpu.vector_load %arg6[%swap3A_156, %swap3A_157] {strides = array<i32>} : memref<1600x16xf32, #tpu.memory_space<vmem>>, vector<1x16xf32>,
        %swap3A_159 = vector.shape_cast %swap3A_158 : vector<1x16xf32> to vector<16xf32>
        %swap3A_160 = vector.shape_cast %add3A_155 : vector<16xf32> to vector<1x16xf32>
        tpu.vector_store %arg6[%swap3A_156, %swap3A_157], %swap3A_160 {strides = array<i32>} : memref<1600x16xf32, #tpu.memory_space<vmem>>, vector<1x16xf32>,
      }
      %scan3A_17 = arith.constant 200 : i32
      "tpu.region"() ({
        %run_scoped3A = tpu.sem_alloc : memref<!tpu.dma_semaphore, #tpu.memory_space<semaphore_mem>>
        %dma_start3A = arith.constant 0 : i32
        %dma_start3A_18 = tpu.memref_slice %arg4[%mul3A_11, %dma_start3A] : memref<1638400x16xf32, #tpu.memory_space<hbm>> -> memref<1600x16xf32, #tpu.memory_space<hbm>>
        %dma_start3A_19 = arith.constant 0 : i32
        %dma_start3A_20 = tpu.memref_slice %arg4[%mul3A_11, %dma_start3A_19] : memref<1638400x16xf32, #tpu.memory_space<hbm>> -> memref<1600x16xf32, #tpu.memory_space<hbm>>
        tpu.enqueue_dma source(%arg6 : memref<1600x16xf32, #tpu.memory_space<vmem>>) target(%dma_start3A_20 : memref<1600x16xf32, #tpu.memory_space<hbm>>) target_semaphore(%run_scoped3A : memref<!tpu.dma_semaphore, #tpu.memory_space<semaphore_mem>>)
        %dma_wait3A = arith.constant 0 : i32
        %dma_wait3A_21 = tpu.memref_slice %arg4[%mul3A_11, %dma_wait3A] : memref<1638400x16xf32, #tpu.memory_space<hbm>> -> memref<1600x16xf32, #tpu.memory_space<hbm>>
        %dma_wait3A_22 = arith.constant 0 : i32
        %dma_wait3A_23 = tpu.memref_slice %arg4[%mul3A_11, %dma_wait3A_22] : memref<1638400x16xf32, #tpu.memory_space<hbm>> -> memref<1600x16xf32, #tpu.memory_space<hbm>>
        tpu.wait_dma2 semaphore(%run_scoped3A : memref<!tpu.dma_semaphore, #tpu.memory_space<semaphore_mem>>) src(%arg6 : memref<1600x16xf32, #tpu.memory_space<vmem>>) dst(%dma_wait3A_23 : memref<1600x16xf32, #tpu.memory_space<hbm>>)
        tpu.yield
      }) : () -> ()
    }
    %scan3A_7 = arith.constant 32 : i32
    return
  }
}

module attributes {stable_mosaic.version = 14 : i64} {
  func.func @_enc_body(%arg0: memref<200x128xf32, #tpu.memory_space<vmem>>, %arg1: memref<200x128xf32, #tpu.memory_space<vmem>>) attributes {dimension_semantics = [], scalar_prefetch = 0 : i64, scratch_operands = 0 : i64, tpu.core_type = #tpu.core_type<tc>} {
    %get3A = arith.constant 0 : index
    %get3A_0 = arith.constant 0 : index
    %get3A_1 = vector.load %arg0[%get3A, %get3A_0] : memref<200x128xf32, #tpu.memory_space<vmem>>, vector<200x128xf32>
    %mul3A = arith.mulf %get3A_1, %get3A_1 : vector<200x128xf32>
    %reduce_sum3A = arith.constant dense<0.000000e+00> : vector<200xf32>
    %reduce_sum3A_2 = vector.multi_reduction <add>, %mul3A, %reduce_sum3A [1] : vector<200x128xf32> to vector<200xf32>
    %broadcast_in_dim3A = vector.shape_cast %reduce_sum3A_2 : vector<200xf32> to vector<200x1xf32>
    %sqrt3A = math.sqrt %broadcast_in_dim3A : vector<200x1xf32>
    %gt3A = arith.constant 1.000000e+00 : f32
    %gt3A_3 = vector.broadcast %gt3A : f32 to vector<200x1xf32>
    %gt3A_4 = arith.cmpf ogt, %sqrt3A, %gt3A_3 : vector<200x1xf32>
    %add3A = arith.constant 1.000000e-07 : f32
    %add3A_5 = vector.broadcast %add3A : f32 to vector<200x1xf32>
    %add3A_6 = arith.addf %sqrt3A, %add3A_5 : vector<200x1xf32>
    %div3A = arith.constant 1.000000e+00 : f32
    %div3A_7 = vector.broadcast %div3A : f32 to vector<200x1xf32>
    %div3A_8 = arith.divf %div3A_7, %add3A_6 : vector<200x1xf32>
    %jit3A = arith.constant 1.000000e+00 : f32
    %broadcast_in_dim3A_9 = vector.broadcast %jit3A : f32 to vector<200x1xf32>
    %select_n3A = arith.select %gt3A_4, %div3A_8, %broadcast_in_dim3A_9 : vector<200x1xi1>, vector<200x1xf32>
    %mul3A_10 = vector.broadcast %select_n3A : vector<200x1xf32> to vector<200x128xf32>
    %mul3A_11 = arith.mulf %get3A_1, %mul3A_10 : vector<200x128xf32>
    %swap3A = arith.constant 0 : index
    %swap3A_12 = arith.constant 0 : index
    %swap3A_13 = vector.load %arg1[%swap3A, %swap3A_12] : memref<200x128xf32, #tpu.memory_space<vmem>>, vector<200x128xf32>
    tpu.vector_store %arg1[%swap3A, %swap3A_12], %mul3A_11 {strides = array<i32>} : memref<200x128xf32, #tpu.memory_space<vmem>>, vector<200x128xf32>,
    return
  }
}

</mosaic_0001>

<sc_bundles>
// kernel: kernel.4.cloned.1.call-start
scs
__scs_entry_jumppad:
0x0: {  	(pc) =	sbr.rel $0x88, $3  }
0x1: {  	(tag) =	ssettag $0x0;
	lr =	simm.s32 $0x1  }
0x2: {  	[smem:$0x3F9F] =	sst lr;
	_ =	strace $0xD0000000  }
0x3: {  	_ = 	snop  }
0x4: {  	_ = 	snop  }
0x5: {  	_ = 	snop  }
0x6: {  	_ = 	snop  }
0x7: {  	_ = 	snop  }
__scs_overlays_trampoline_lowered:
0x8: {  	[smem:$0x3FAE] =	sst s0  }
0x9: {  	[smem:$0x3FAF] =	sst s1  }
0xa: {  	[smem:$0x3FB0] =	sst s2  }
0xb: {  	[smem:$0x3FB1] =	sst s3  }
0xc: {  	[smem:$0x3FB2] =	sst s4  }
0xd: {  	[smem:$0x3FB3] =	sst s5  }
0xe: {  	[smem:$0x3FB4] =	sst s6  }
0xf: {  	[smem:$0x3FB5] =	sst s7  }
0x10: {  	[smem:$0x3FB6] =	sst s8  }
0x11: {  	[smem:$0x3FB7] =	sst s9;
	s0 =	simm.s32 @!p0 $0x0  }
0x12: {  	s1 =	sld [smem:$0x3F9D];
	s0 =	simm.s32 @p0 $0x1  }
0x13: {  	[smem:$0x3FB8] =	sst s0;
	s0 =	simm.s32 @!p1 $0x0  }
0x14: {  	s2 =	sld [smem:$0x3F9C];
	s0 =	simm.s32 @p1 $0x1  }
0x15: {  	[smem:$0x3FB9] =	sst s0;
	s0 =	simm.s32 @!p2 $0x0  }
0x16: {  	s3 =	sld [smem:$0x3FDB];
	s0 =	simm.s32 @p2 $0x1  }
0x17: {  	s4 =	simm.s32 $0x1BF5;
	[smem:$0x3FBB] =	sst s0  }
0x18: {  	s0 =	sld [smem:$0x3F9E];
	_ =	swait.ge [sflag:s4], $0x0  }
0x19: {  	s7 =	sld [smem:$0x3F9F]  }
0x1a: {  	s8 =	sadd.s32 $0xFFFFE003, lr  }
0x1b: {  	s9 =	sadd.s32 $0xFFFFFEF7, lr;
	s5 =	simm.s32 $0xFFFFFFFF;
	p2 =	slt.u32 s8, $0xFFFFF086  }
0x1c: {  	p1 =	slt.u32 s9, $0xF7A;
	s5 =	simm.s32 @!p2 $0x0  }
0x1d: {  	s5 =	simm.s32 @p1 $0x1;
	p0 =	seq.s32 s7, s2  }
0x1e: {  	s7 =	smul.u32 @!p0 $0xF7A, s2;
	p2 =	seq.s32 @!p0 s5, $0x0  }
0x1f: {  	s9 =	smul.u32 $0xF7A, s1;
	s8 =	simm.s32 @!p0 $0x1BF5;
	p2 =	por !p2, p0  }
0x20: {  	[sflag:s8] =	ssyncset.s32 @!p0 $0xFFFFF086;
	s6 =	sadd.s32 @!p0 s3, s7;
	s7 =	simm.s32 @!p0 $0x108  }
0x21: {  	s3 =	sadd.s32 s3, s9;
	s6 =	sadd.s32 @!p0 $0x88, s6;
	s7 =	simm.s32 @p2 $0x1082  }
0x22: {  	[simem:s7], [sflag:s8] =	dma.local @!p0 [hbm:s6], $0xF7A  }
0x23: {  	s9 =	sor.u32 $0xD0000000, s2;
	s6 =	simm.s32 $0x108;
	_ =	swait.ge @!p0 [sflag:s8], $0x0  }
0x24: {  	s3 =	sadd.s32 $0x88, s3;
	s6 =	simm.s32 @!p1 $0x1082;
	[sflag:s4] =	ssyncset.s32 $0xFFFFF086  }
0x25: {  	[simem:s6], [sflag:s4] =	dma.local [hbm:s3], $0xF7A  }
0x26: {  	[smem:$0x3F9F] =	sst s1;
	(tag) =	ssettag s2;
	_ =	strace s9  }
0x27: {  	s1 =	sld [smem:$0x3FAF]  }
0x28: {  	s2 =	sld [smem:$0x3FB0]  }
0x29: {  	s4 =	sld [smem:$0x3FB2]  }
0x2a: {  	p0 =	seq.s32 s5, $0x0;
	s5 =	sld [smem:$0x3FB3]  }
0x2b: {  	s6 =	sld [smem:$0x3FB4]  }
0x2c: {  	s7 =	sld [smem:$0x3FB5]  }
0x2d: {  	s3 =	simm.s32 $0x108;
	s8 =	sld [smem:$0x3FB6]  }
0x2e: {  	s3 =	simm.s32 @!p0 $0x1082;
	s9 =	sld [smem:$0x3FB7]  }
0x2f: {  	lr =	sadd.s32 s0, s3;
	s0 =	sld [smem:$0x3FAE]  }
0x30: {  	s3 =	sld [smem:$0x3FB1]  }
0x31: {  	[smem:$0x3FBA] =	sst s10  }
0x32: {  	s10 =	sld [smem:$0x3FB8];
	_ =	sdelay $0x3  }
0x33: {  	p0 =	seq.s32 s10, $0x1;
	s10 =	sld [smem:$0x3FBA];
	_ =	sdelay $0x3  }
0x34: {  	[smem:$0x3FBA] =	sst s10  }
0x35: {  	s10 =	sld [smem:$0x3FB9];
	_ =	sdelay $0x3  }
0x36: {  	p1 =	seq.s32 s10, $0x1;
	s10 =	sld [smem:$0x3FBA];
	_ =	sdelay $0x3  }
0x37: {  	[smem:$0x3FBA] =	sst s10  }
0x38: {  	s10 =	sld [smem:$0x3FBB]  }
0x39: {  	_ = 	snop;
	(pc) =	sbr.ind lr, $3  }
0x3a: {  	_ = 	snop  }
0x3b: {  	_ = 	snop  }
0x3c: {  	p2 =	seq.s32 s10, $0x1;
	s10 =	sld [smem:$0x3FBA]  }
0x3d: {  	_ =	shalt  }
0x3e: {  	_ =	shalt  }
0x3f: {  	_ =	shalt  }
0x40: {  	_ =	shalt  }
0x41: {  	_ =	shalt  }
0x42: {  	_ =	shalt  }
0x43: {  	_ =	shalt  }
0x44: {  	_ =	shalt  }
0x45: {  	_ =	shalt  }
0x46: {  	_ =	shalt  }
0x47: {  	_ =	shalt  }
0x48: {  	_ =	shalt  }
0x49: {  	_ =	shalt  }
0x4a: {  	_ =	shalt  }
0x4b: {  	_ =	shalt  }
0x4c: {  	_ =	shalt  }
0x4d: {  	_ =	shalt  }
0x4e: {  	_ =	shalt  }
0x4f: {  	_ =	shalt  }
0x50: {  	_ =	shalt  }
0x51: {  	_ =	shalt  }
0x52: {  	_ =	shalt  }
0x53: {  	_ =	shalt  }
0x54: {  	_ =	shalt  }
0x55: {  	_ =	shalt  }
0x56: {  	_ =	shalt  }
0x57: {  	_ =	shalt  }
0x58: {  	_ =	shalt  }
0x59: {  	_ =	shalt  }
0x5a: {  	_ =	shalt  }
0x5b: {  	_ =	shalt  }
0x5c: {  	_ =	shalt  }
0x5d: {  	_ =	shalt  }
0x5e: {  	_ =	shalt  }
0x5f: {  	_ =	shalt  }
0x60: {  	_ =	shalt  }
0x61: {  	_ =	shalt  }
0x62: {  	_ =	shalt  }
0x63: {  	_ =	shalt  }
0x64: {  	_ =	shalt  }
0x65: {  	_ =	shalt  }
0x66: {  	_ =	shalt  }
0x67: {  	_ =	shalt  }
0x68: {  	_ =	shalt  }
0x69: {  	_ =	shalt  }
0x6a: {  	_ =	shalt  }
0x6b: {  	_ =	shalt  }
0x6c: {  	_ =	shalt  }
0x6d: {  	_ =	shalt  }
0x6e: {  	_ =	shalt  }
0x6f: {  	_ =	shalt  }
0x70: {  	_ =	shalt  }
0x71: {  	_ =	shalt  }
0x72: {  	_ =	shalt  }
0x73: {  	_ =	shalt  }
0x74: {  	_ =	shalt  }
0x75: {  	_ =	shalt  }
0x76: {  	_ =	shalt  }
0x77: {  	_ =	shalt  }
0x78: {  	_ =	shalt  }
0x79: {  	_ =	shalt  }
0x7a: {  	_ =	shalt  }
0x7b: {  	_ =	shalt  }
0x7c: {  	_ =	shalt  }
0x7d: {  	_ =	shalt  }
0x7e: {  	_ =	shalt  }
0x7f: {  	_ =	shalt  }
0x80: {  	_ =	shalt  }
0x81: {  	_ =	shalt  }
0x82: {  	_ =	shalt  }
0x83: {  	_ =	shalt  }
0x84: {  	_ =	shalt  }
0x85: {  	_ =	shalt  }
0x86: {  	_ =	shalt  }
0x87: {  	_ =	shalt  }
.Lfunc_end0:
.L_simem_size_0:
called_computation_lowered:
.L_overlay_start_0:
0x88: {  	s2 =	sld [smem:$0x3FD9]  }
0x89: {  	s3 =	sld [smem:$0x3FFE];
	_ =	sdelay $0x1  }
0x8a: {  	s1 =	srdreg.scid  }
0x8b: {  	s0 =	sand.u32 $0x1, s1  }
0x8c: {  	s17 =	sshll.u32 s0, $0xA;
	s2 =	sadd.s32 s3, s2  }
0x8d: {  	s2 =	sadd.s32 s2, s17  }
0x8e: {  	[smem:$0x3FC6] =	sst s2  }
0x8f: {  	_ = 	snop  }
0x90: {  	s2 =	sld [smem:$0x3FC9]  }
0x91: {  	s18 =	sld [smem:$0x3FD0];
	(tm) =	ssettm $0x1  }
0x92: {  	s4 =	sld [smem:$0x3FFB];
	_ =	sdelay $0x3  }
0x93: {  	_ =	strace s4  }
0x94: {  	s4 =	sld [smem:$0x3FFC];
	_ =	sdelay $0x3  }
0x95: {  	_ =	strace s4  }
0x96: {  	s4 =	sld [smem:$0x3FFD];
	_ =	sdelay $0x3  }
0x97: {  	_ =	strace s4  }
0x98: {  	_ =	strace $0x8FFFFFFF  }
0x99: {  	s19 =	sld [smem:$0x3FDB];
	_ =	sdelay $0x1  }
0x9a: {  	s5 =	simm.s32 $_scs_section_size  }
0x9b: {  	s6 =	simm.s32 $_size__tile_overlayer_lowered;
	s7 =	simm.s32 $_tile_overlayer_lowered  }
0x9c: {  	s22 =	simm.s32 $0x1BFF;
	s21 =	sshll.u32 s7, $0x1;
	s4 =	sadd.s32 s5, s19  }
0x9d: {  	s8 =	simm.s32 $0x0;
	s20 =	sshll.u32 s6, $0x1;
	s6 =	sadd.s32 s21, s4  }
0x9e: {  	[timem:s8], [sflag:s22] =	dma.local [hbm:s6], s20  }
0x9f: {  	_ =	swait.ge [sflag:s22], s20  }
0xa0: {  	s5 =	ssub.s32 $0x0, s20;
	[sflag:s22] =	ssyncset.done $0x0  }
0xa1: {  	[sflag:s22] =	ssyncadd.s32 s5;
	_ =	sdelay $0x1  }
0xa2: {  	s23 =	simm.s32 $0x1B8B  }
0xa3: {  	_ =	swait.ge [sflag:s23], $0x1  }
0xa4: {  	[sflag:s23] =	ssyncset.done $0x0  }
0xa5: {  	s25 =	simm.s32 $0x1B8E;
	s24 =	sld [smem:$0x3FFE];
	[sflag:s23] =	ssyncadd.s32 $0xFFFFFFFF  }
0xa6: {  	s26 =	simm.s32 $execute0_lowered;
	[smem:$0x3FD2] =	sst s25  }
0xa7: {  	s6 =	sshll.u32 s26, $0x1;
	_ =	strace $0x80000046;
	[dreg:$0x1] =	wrdreg $0xFFFFFFFF  }
0xa8: {  	s28 =	simm.s32 $_size_execute0_lowered;
	s4 =	sadd.s32 s4, s6;
	[dreg:$0x0] =	wrdreg $0x0  }
0xa9: {  	s6 =	sshll.u32 s28, $0x1;
	[dreg:$0x2] =	wrdreg s4  }
0xaa: {  	[dreg:$0x3] =	wrdreg s6  }
0xab: {  	[dreg:$0x4] =	wrdreg $0xC0  }
0xac: {  	_ =	task [dreg:s8], $0x5FFFF  }
0xad: {  	[dreg:$0x1] =	wrdreg $0xFFFFFFFF  }
0xae: {  	[dreg:$0x0] =	wrdreg $0x60  }
0xaf: {  	[dreg:$0x2] =	wrdreg s2  }
0xb0: {  	[dreg:$0x3] =	wrdreg s24  }
0xb1: {  	[dreg:$0x4] =	wrdreg s18  }
0xb2: {  	[dreg:$0x5] =	wrdreg $0x9  }
0xb3: {  	_ =	task.clear_ibuf [dreg:s8], $0x6FFFF;
	_ =	strace $0x90000046  }
0xb4: {  	s29 =	simm.s32 $0x9;
	_ =	strace $0x80000048  }
0xb5: {  	_ =	swait.ge [sflag:s29], $0x1  }
0xb6: {  	[sflag:s29] =	ssyncadd.s32 $0xFFFFFFFF  }
0xb7: {  	_ =	strace $0x90000048  }
0xb8: {  	_ =	sfence  }
0xb9: {  	s30 =	sld [smem:$0x0];
	_ =	sdelay $0x2  }
0xba: {  	s31 =	sshll.u32 s1, $0xD;
	s1 =	sshrl.u32 s1, $0x2  }
0xbb: {  	s3 =	sand.u32 $0x4000, s31;
	s1 =	sadd.s32 s1, s30  }
0xbc: {  	s0 =	sor.u32 s3, s0;
	s1 =	sshll.u32 s1, $0x11  }
0xbd: {  	s0 =	sor.u32 s1, s0  }
0xbe: {  	s0 =	sadd.s32 $0x8F2B, s0  }
0xbf: {  	[sflag:s0] =	ssyncadd.remote.s32 $0x1  }
0xc0: {  	_ =	sfence.sel $0xFFFF  }
0xc1: {  	[dreg:$0x0] =	wrdreg $0xFFFFFFFF;
	(pc) =	sbr.abs _section_cstart, $3  }
0xc2: {  	[dreg:$0x1] =	wrdreg $0xFFFFFFFF  }
0xc3: {  	_ =	task.clear_ibuf [dreg:s8], $0x2FFFF;
	_ =	strace $0x9FFFFFFF  }
0xc4: {  	(tm) =	ssettm $0x7FFFFFFF  }
0xc5: {  	_ =	shalt  }
tec
execute0_lowered:
.L_overlay_start_1:
0x0: {  	(tag) =	ssettag $0x1  }
0x1: {  	s1 =	rddreg [dreg:$0x0]  }
0x2: {  	s5 =	rddreg [dreg:$0x1]  }
0x3: {  	s2 =	rddreg [dreg:$0x2]  }
0x4: {  	s4 =	srdreg.scid;
	s0 =	rddreg [dreg:$0x3];
	s3 =	simm.s32 $0x0  }
0x5: {  	s9 =	simm.s32 $0x6400;
	s10 =	simm.s32 $0x0;
	s6 =	sand.u32 $0x1, s4  }
0x6: {  	[smem:$0x7FF] =	sst s3;
	s4 =	stileid.u32;
	s7 =	ssub.s32 $0x2, s6  }
0x7: {  	s5 =	sadd.s32 $0x800, s5;
	_ =	strace $0x80000047;
	s8 =	sshrl.u32 s7, $0x1  }
0x8: {  	s31 =	sshll.u32 s4, $0x6;
	s6 =	sshll.u32 s6, $0x5;
	s7 =	ssub.s32 s7, s8  }
0x9: {  	s6 =	sor.u32 s6, s31;
	s8 =	simm.s32 $0x1;
	s7 =	smax.u32 s7, $0x1  }
.LBB2_1:
0xa: {  	[tilespmem:s3], [sflag:$0x1] =	stream.linear.gather [hbm4b:s5+s3], $0x6400, $0x38;
	[tilespmem:$0xC800] =	vst v63  }
0xb: {  	_ =	swait.ge [sflag:s8], $0x6400  }
0xc: {  	[sflag:s8] =	ssyncset.done $0x0  }
0xd: {  	s11 =	simm.s32 $0x0;
	[sflag:s8] =	ssyncadd.s32 $0xFFFF9C00  }
.LBB2_2:
0xe: {  	s12 =	sadd.s32 s6, s11  }
0xf: {  	s12 =	smul.u32 $0xC80, s12;
	_ =	sdelay $0x1  }
0x10: {  	s14 =	simm.s32 $0x0;
	s13 =	sadd.s32 s1, s12  }
0x11: {  	[tilespmem:s9], [sflag:$0x1] =	stream.linear.gather [hbm4b:s13+s14], $0x6400, $0x38;
	[tilespmem:$0xC800] =	vst v63  }
0x12: {  	_ =	swait.ge [sflag:s8], $0x6400  }
0x13: {  	[sflag:s8] =	ssyncset.done $0x0  }
0x14: {  	s13 =	simm.s32 $0x0;
	[sflag:s8] =	ssyncadd.s32 $0xFFFF9C00  }
0x15: {  	v7 =	vld [tilespmem:s13+$0x0]  }
0x16: {  	v11 =	vld [tilespmem:s13+$0x10]  }
0x17: {  	v5 =	vld [tilespmem:s13+$0x20]  }
0x18: {  	v4 =	vld [tilespmem:s13+$0x30]  }
0x19: {  	v3 =	vld [tilespmem:s13+$0x40]  }
0x1a: {  	v2 =	vld [tilespmem:s13+$0x50]  }
0x1b: {  	v1 =	vld [tilespmem:s13+$0x60]  }
0x1c: {  	v0 =	vld [tilespmem:s13+$0x70]  }
0x1d: {  	v12 =	vld [tilespmem:s13+$0x6400]  }
0x1e: {  	v13 =	vld [tilespmem:s13+$0x6410]  }
0x1f: {  	v10 =	vld [tilespmem:s13+$0x6420]  }
0x20: {  	v9 =	vld [tilespmem:s13+$0x6430]  }
0x21: {  	v8 =	vld [tilespmem:s13+$0x6440]  }
0x22: {  	v6 =	vld [tilespmem:s13+$0x6450];
	v12 =	vadd.f32 v7, v12  }
0x23: {  	s14 =	simm.s32 $0x200;
	v11 =	vadd.f32 v11, v13;
	v7 =	vld [tilespmem:s13+$0x6460]  }
.LBB2_3:
0x24: {  	s15 =	sshra.s32 s14, $0x2;
	p0 =	sne.s32 s14, $0x18E00;
	[tilespmem:s13+$0x6400] =	vst v12;
	v5 =	vadd.f32 v5, v10;
	v10 =	vld [tilespmem:s13+$0x6470]  }
0x25: {  	v12 =	vld [tilespmem:s15+$0x0];
	[tilespmem:s13+$0x6410] =	vst v11;
	v4 =	vadd.f32 v4, v9  }
0x26: {  	v11 =	vld [tilespmem:s15+$0x10];
	[tilespmem:s13+$0x6420] =	vst v5;
	v3 =	vadd.f32 v3, v8  }
0x27: {  	v5 =	vld [tilespmem:s15+$0x20];
	[tilespmem:s13+$0x6430] =	vst v4;
	v2 =	vadd.f32 v2, v6  }
0x28: {  	v4 =	vld [tilespmem:s15+$0x30];
	[tilespmem:s13+$0x6440] =	vst v3;
	v1 =	vadd.f32 v1, v7  }
0x29: {  	v3 =	vld [tilespmem:s15+$0x40];
	[tilespmem:s13+$0x6450] =	vst v2;
	v0 =	vadd.f32 v0, v10  }
0x2a: {  	v2 =	vld [tilespmem:s15+$0x50];
	[tilespmem:s13+$0x6460] =	vst v1  }
0x2b: {  	v1 =	vld [tilespmem:s15+$0x60];
	[tilespmem:s13+$0x6470] =	vst v0;
	s13 =	smov.u32 s15  }
0x2c: {  	v0 =	vld [tilespmem:s13+$0x70]  }
0x2d: {  	v6 =	vld [tilespmem:s13+$0x6400]  }
0x2e: {  	v7 =	vld [tilespmem:s13+$0x6410]  }
.Ltmp0:
0x2f: {  	v10 =	vld [tilespmem:s13+$0x6420];
	(pc) =	sbr.rel @p0 .LBB2_3-.Ltmp0, $4  }
0x30: {  	v9 =	vld [tilespmem:s13+$0x6430]  }
0x31: {  	v8 =	vld [tilespmem:s13+$0x6440]  }
0x32: {  	v12 =	vadd.f32 v12, v6;
	v6 =	vld [tilespmem:s13+$0x6450]  }
0x33: {  	s14 =	sadd.s32 $0x200, s14;
	v11 =	vadd.f32 v11, v7;
	v7 =	vld [tilespmem:s13+$0x6460]  }
0x34: {  	[tilespmem:s13+$0x6400] =	vst v12;
	v5 =	vadd.f32 v5, v10;
	v63 =	vld [tilespmem:s13+$0x6470]  }
0x35: {  	[tilespmem:s13+$0x6410] =	vst v11;
	v4 =	vadd.f32 v4, v9  }
0x36: {  	[tilespmem:s13+$0x6420] =	vst v5;
	v3 =	vadd.f32 v3, v8  }
0x37: {  	[tilespmem:s13+$0x6430] =	vst v4;
	v2 =	vadd.f32 v2, v6  }
0x38: {  	[tilespmem:s13+$0x6440] =	vst v3;
	v1 =	vadd.f32 v1, v7  }
0x39: {  	s11 =	sadd.s32 $0x1, s11;
	[tilespmem:s13+$0x6450] =	vst v2;
	v0 =	vadd.f32 v0, v63  }
0x3a: {  	p0 =	sne.s32 s11, $0x20;
	[tilespmem:s13+$0x6460] =	vst v1  }
.Ltmp1:
0x3b: {  	s12 =	sadd.s32 s2, s12;
	[tilespmem:s13+$0x6470] =	vst v0;
	(pc) =	sbr.rel @p0 .LBB2_2-.Ltmp1, $4  }
0x3c: {  	[hbm4b:s12+s3] =	stream.linear.scatter [tilespmem:s9], [sflag:$0x1], $0x6400, $0x38;
	[tilespmem:$0xC800] =	vst v63  }
0x3d: {  	_ =	swait.ge [sflag:s8], $0x6400  }
0x3e: {  	[sflag:s8] =	ssyncset.done $0x0  }
0x3f: {  	[sflag:s8] =	ssyncadd.s32 $0xFFFF9C00  }
0x40: {  	s10 =	sadd.s32 $0x1, s10  }
0x41: {  	p0 =	sne.s32 s10, s7  }
.Ltmp2:
0x42: {  	_ = 	snop;
	(pc) =	sbr.rel @p0 .LBB2_1-.Ltmp2, $1  }
0x43: {  	_ =	sdelay $0x3  }
0x44: {  	_ =	sfence.sel $0x180000  }
0x45: {  	[bflag:$0x0] =	sbarrier.arrive $0xFFFF  }
0x46: {  	p0 =	sne.s32 s4, $0x0;
	_ =	strace $0x90000047  }
0x47: {  	s0 =	sadd.s32 @!p0 $0x100000, s0;
	[bflag:$0x2] =	sbarrier.arrive $0xFFFF  }
0x48: {  	[sflag:s0] =	ssyncadd.tile.s32 @!p0 $0x1;
	_ =	shalt  }
.Lfunc_end2:
_tile_overlayer_lowered:
.L_overlay_start_2:
0x49: {  	(tag) =	ssettag $0x2  }
0x4a: {  	s0 =	rddreg [dreg:$0x0];
	s2 =	stileid.u32  }
0x4b: {  	s1 =	rddreg [dreg:$0x1];
	p0 =	sne.s32 s2, $0x0  }
0x4c: {  	s3 =	rddreg [dreg:$0x2];
	[bflag:$0x3] =	sbarrier.arrive $0xFFFF;
	s2 =	simm.s32 @!p0 $0x1C01  }
0x4d: {  	[timem:s3], [sflag:s2] =	dma.local @!p0 [hbm:s0], s1  }
0x4e: {  	s0 =	simm.s32 @!p0 $0x1  }
0x4f: {  	_ =	swait.ge @!p0 [sflag:s0], s1  }
0x50: {  	s1 =	ssub.s32 @!p0 $0x0, s1;
	[sflag:s0] =	ssyncset.done @!p0 $0x0  }
0x51: {  	[sflag:s0] =	ssyncadd.s32 @!p0 s1  }
0x52: {  	[bflag:$0x3] =	sbarrier.arrive $0xFFFF  }
0x53: {  	_ =	shalt  }

</sc_bundles>
